<compile_context>
chip_gen: v7x
topology: tpu7x:2x2x1
jax: 0.10.2.dev20260603
libtpu: 0.0.44.dev20260713+nightly
codegen_flags: <defaults>
</compile_context>

<pallas_src>
import jax
import jax.numpy as jnp
from jax.experimental import pallas as pl
from jax.experimental.pallas import tpu as pltpu

_B = 128
_SEQ = 197
_EMB = 768
_POOL = 100
_PLEN = 8
_HALF = _PLEN // 2
_EPS = 1e-6

_ROWS = _B * _SEQ
_CHUNKS = 16
_CROWS = _ROWS // _CHUNKS


def _body(gate_ref, x_ref, ea_ref, ek_ref, ep_ref, xb_ref,
          eko_ref, evo_ref, xbo_ref):
    xbo_ref[...] = xb_ref[...]

    @pl.when(pl.program_id(0) == 0)
    def _compute():
        ea = ea_ref[...]
        m = jnp.max(ea, axis=1, keepdims=True)
        p = jnp.exp(ea - m)
        A = p / jnp.sum(p, axis=1, keepdims=True)

        ek = ek_ref[...]
        n2 = jnp.sqrt(jnp.sum(ek * ek, axis=1, keepdims=True))
        Wn = (A * ek) / jnp.maximum(n2, _EPS)

        x = x_ref[...]
        dn_t = (((1,), (1,)), ((), ()))
        num = jax.lax.dot_general(x, Wn, dn_t,
                                  preferred_element_type=jnp.float32)
        n1sq = jax.lax.dot_general(x * x, A * A, dn_t,
                                   preferred_element_type=jnp.float32)
        n1 = jnp.maximum(jnp.sqrt(n1sq), _EPS)

        gate = gate_ref[0]
        aq = ((num / n1) + 1.0) * (0.5 * gate)

        dn = (((1,), (0,)), ((), ()))
        for l in range(_PLEN):
            dst = eko_ref if l < _HALF else evo_ref
            j = l if l < _HALF else l - _HALF
            dst[:, j * _EMB:(j + 1) * _EMB] = jax.lax.dot_general(
                aq, ep_ref[l], dn, preferred_element_type=jnp.float32)


def kernel(x_querry, x_block, e_p_0, e_k_0, e_a_0, l):
    in_layers = jnp.any(jnp.asarray(l) == jnp.asarray([0, 1, 2, 3, 4, 5]))
    gate = in_layers.astype(jnp.float32).reshape(1)

    xb2 = x_block.reshape(_ROWS, _EMB)

    out_t = (
        jax.ShapeDtypeStruct((_B, _HALF * _EMB), jnp.float32),
        jax.ShapeDtypeStruct((_B, _HALF * _EMB), jnp.float32),
        jax.ShapeDtypeStruct((_ROWS, _EMB), jnp.float32),
    )
    full = lambda i: (0, 0)
    full3 = lambda i: (0, 0, 0)
    ek2, ev2, xb_out = pl.pallas_call(
        _body,
        grid=(_CHUNKS,),
        out_shape=out_t,
        in_specs=[
            pl.BlockSpec(memory_space=pltpu.SMEM),
            pl.BlockSpec((_B, _EMB), full),
            pl.BlockSpec((_POOL, _EMB), full),
            pl.BlockSpec((_POOL, _EMB), full),
            pl.BlockSpec((_PLEN, _POOL, _EMB), full3),
            pl.BlockSpec((_CROWS, _EMB), lambda i: (i, 0)),
        ],
        out_specs=(
            pl.BlockSpec((_B, _HALF * _EMB), full),
            pl.BlockSpec((_B, _HALF * _EMB), full),
            pl.BlockSpec((_CROWS, _EMB), lambda i: (i, 0)),
        ),
    )(gate, x_querry, e_a_0, e_k_0, e_p_0, xb2)

    Ek = ek2.reshape(_B, _HALF, _EMB)
    Ev = ev2.reshape(_B, _HALF, _EMB)
    return (Ek, Ev, xb_out.reshape(_B, _SEQ, _EMB))

# --- scband reference (transcript-rebuilt; emitter-appended) ---
"""Pipeline reference for scband-dual-prompt-75737453298409 (READ-ONLY COPY).

The authoritative reference and input builder live on the scoring server;
editing this copy changes nothing except your own understanding.
"""

import jax, jax.numpy as jnp
import numpy as np

B = 128
SEQ = 197
EMB_D = 768
KEY_D = 768
POOL = 100
PLEN = 8
TOP_K = 3

def setup_inputs(seed: int = 0) -> dict:
    key = jax.random.key(seed)
    k1, k2, k3, k4, k5 = jax.random.split(key, 5)
    return {
        "x_querry": jax.random.normal(k1, (B, KEY_D), dtype=jnp.float32),
        "x_block": jax.random.normal(k2, (B, SEQ, EMB_D), dtype=jnp.float32),
        "e_p_0": jax.random.uniform(k3, (PLEN, POOL, EMB_D), dtype=jnp.float32),
        "e_k_0": jax.random.uniform(k4, (POOL, KEY_D), dtype=jnp.float32),
        "e_a_0": jax.random.uniform(k5, (POOL, KEY_D), dtype=jnp.float32),
        "l": 0,
    }

def reference(x_querry, x_block, e_p_0, e_k_0, e_a_0, l):
    e_layers = [0, 1, 2, 3, 4, 5]
    in_layers = jnp.any(jnp.asarray(l) == jnp.asarray(e_layers))
    gate = in_layers.astype(jnp.float32)
    # attention-weighted query: einsum('bd,kd->bkd', x, softmax(A, dim=1))
    A_soft = jax.nn.softmax(e_a_0, axis=1)
    a_querry = jnp.einsum('bd,kd->bkd', x_querry, A_soft)
    # cosine similarity along dim=2 vs K expanded to (B, POOL, KEY_D), eps=1e-6
    Kb = jnp.broadcast_to(e_k_0[None, :, :], a_querry.shape)
    eps = 1e-6
    num = jnp.sum(a_querry * Kb, axis=2)
    n1 = jnp.maximum(jnp.linalg.norm(a_querry, axis=2), eps)
    n2 = jnp.maximum(jnp.linalg.norm(Kb, axis=2), eps)
    aq_k = num / (n1 * n2)
    aq_k = (aq_k + 1.0) / 2.0
    # top-k over the prompt pool (computed in eval path, indices unused)
    top_v, top_i = jax.lax.top_k(aq_k, TOP_K)
    # weighted prompt assembly
    P_ = jnp.einsum('bk,lkd->bld', aq_k, e_p_0)
    i = PLEN // 2
    Ek = P_[:, :i, :] * gate
    Ev = P_[:, i:, :] * gate
    # eval path: return (p_return, 0, x_block); here expose tensors (Ek, Ev, x_block)
    return (Ek, Ev, x_block)

if __name__ == "__main__":
    import jax
    _d = setup_inputs()
    print(jax.jit(kernel)(*tuple(_d.values())))

</pallas_src>

<mosaic_0001>
module attributes {stable_mosaic.version = 14 : i64} {
  func.func @_body(%arg0: i32, %arg1: memref<1xf32, #tpu.memory_space<smem>>, %arg2: memref<128x768xf32, #tpu.memory_space<vmem>>, %arg3: memref<100x768xf32, #tpu.memory_space<vmem>>, %arg4: memref<100x768xf32, #tpu.memory_space<vmem>>, %arg5: memref<8x100x768xf32, #tpu.memory_space<vmem>>, %arg6: memref<1576x768xf32, #tpu.memory_space<vmem>>, %arg7: memref<128x3072xf32, #tpu.memory_space<vmem>>, %arg8: memref<128x3072xf32, #tpu.memory_space<vmem>>, %arg9: memref<1576x768xf32, #tpu.memory_space<vmem>>) attributes {dimension_semantics = [#tpu.dimension_semantics<arbitrary>], iteration_bounds = array<i64: 16>, scalar_prefetch = 0 : i64, scratch_operands = 0 : i64, tpu.core_type = #tpu.core_type<tc>, window_params = [{transform_indices = @transform_0, window_bounds = array<i64: 1>}, {pipeline_mode = #tpu.pipeline_mode<synchronous>, transform_indices = @transform_1, window_bounds = array<i64: 128, 768>}, {pipeline_mode = #tpu.pipeline_mode<synchronous>, transform_indices = @transform_2, window_bounds = array<i64: 100, 768>}, {pipeline_mode = #tpu.pipeline_mode<synchronous>, transform_indices = @transform_3, window_bounds = array<i64: 100, 768>}, {pipeline_mode = #tpu.pipeline_mode<synchronous>, transform_indices = @transform_4, window_bounds = array<i64: 8, 100, 768>}, {transform_indices = @transform_5, window_bounds = array<i64: 1576, 768>}, {pipeline_mode = #tpu.pipeline_mode<synchronous>, transform_indices = @transform_6, window_bounds = array<i64: 128, 3072>}, {pipeline_mode = #tpu.pipeline_mode<synchronous>, transform_indices = @transform_7, window_bounds = array<i64: 128, 3072>}, {transform_indices = @transform_8, window_bounds = array<i64: 1576, 768>}]} {
    %get3A = arith.constant 0 : index
    %get3A_0 = arith.constant 0 : index
    %get3A_1 = vector.load %arg6[%get3A, %get3A_0] : memref<1576x768xf32, #tpu.memory_space<vmem>>, vector<1576x768xf32>
    %swap3A = arith.constant 0 : index
    %swap3A_2 = arith.constant 0 : index
    %swap3A_3 = vector.load %arg9[%swap3A, %swap3A_2] : memref<1576x768xf32, #tpu.memory_space<vmem>>, vector<1576x768xf32>
    tpu.vector_store %arg9[%swap3A, %swap3A_2], %get3A_1 {strides = array<i32>} : memref<1576x768xf32, #tpu.memory_space<vmem>>, vector<1576x768xf32>,
    %eq3A = arith.constant 0 : i32
    %eq3A_4 = arith.cmpi eq, %arg0, %eq3A : i32
    %convert_element_type3A = arith.extui %eq3A_4 : i1 to i32
    %cond3A = arith.constant 0 : i32
    %cond3A_5 = arith.cmpi ne, %convert_element_type3A, %cond3A : i32
    scf.if %cond3A_5 {
      %get3A_6 = arith.constant 0 : index
      %get3A_7 = arith.constant 0 : index
      %get3A_8 = vector.load %arg3[%get3A_6, %get3A_7] : memref<100x768xf32, #tpu.memory_space<vmem>>, vector<100x768xf32>
      %reduce_max3A = arith.constant dense<0xFF800000> : vector<100xf32>
      %reduce_max3A_9 = vector.multi_reduction <maximumf>, %get3A_8, %reduce_max3A [1] : vector<100x768xf32> to vector<100xf32>
      %broadcast_in_dim3A = vector.shape_cast %reduce_max3A_9 : vector<100xf32> to vector<100x1xf32>
      %sub3A = vector.broadcast %broadcast_in_dim3A : vector<100x1xf32> to vector<100x768xf32>
      %sub3A_10 = arith.subf %get3A_8, %sub3A : vector<100x768xf32>
      %exp3A = math.exp %sub3A_10 : vector<100x768xf32>
      %reduce_sum3A = arith.constant dense<0.000000e+00> : vector<100xf32>
      %reduce_sum3A_11 = vector.multi_reduction <add>, %exp3A, %reduce_sum3A [1] : vector<100x768xf32> to vector<100xf32>
      %broadcast_in_dim3A_12 = vector.shape_cast %reduce_sum3A_11 : vector<100xf32> to vector<100x1xf32>
      %div3A = vector.broadcast %broadcast_in_dim3A_12 : vector<100x1xf32> to vector<100x768xf32>
      %div3A_13 = arith.divf %exp3A, %div3A : vector<100x768xf32>
      %get3A_14 = arith.constant 0 : index
      %get3A_15 = arith.constant 0 : index
      %get3A_16 = vector.load %arg4[%get3A_14, %get3A_15] : memref<100x768xf32, #tpu.memory_space<vmem>>, vector<100x768xf32>
      %mul3A = arith.mulf %get3A_16, %get3A_16 : vector<100x768xf32>
      %reduce_sum3A_17 = arith.constant dense<0.000000e+00> : vector<100xf32>
      %reduce_sum3A_18 = vector.multi_reduction <add>, %mul3A, %reduce_sum3A_17 [1] : vector<100x768xf32> to vector<100xf32>
      %broadcast_in_dim3A_19 = vector.shape_cast %reduce_sum3A_18 : vector<100xf32> to vector<100x1xf32>
      %sqrt3A = math.sqrt %broadcast_in_dim3A_19 : vector<100x1xf32>
      %mul3A_20 = arith.mulf %div3A_13, %get3A_16 : vector<100x768xf32>
      %max3A = arith.constant 9.99999997E-7 : f32
      %max3A_21 = vector.broadcast %max3A : f32 to vector<100x1xf32>
      %max3A_22 = arith.maximumf %sqrt3A, %max3A_21 : vector<100x1xf32>
      %div3A_23 = vector.broadcast %max3A_22 : vector<100x1xf32> to vector<100x768xf32>
      %div3A_24 = arith.divf %mul3A_20, %div3A_23 : vector<100x768xf32>
      %get3A_25 = arith.constant 0 : index
      %get3A_26 = arith.constant 0 : index
      %get3A_27 = vector.load %arg2[%get3A_25, %get3A_26] : memref<128x768xf32, #tpu.memory_space<vmem>>, vector<128x768xf32>
      %dot_general3A = arith.constant dense<0.000000e+00> : vector<128x100xf32>
      %dot_general3A_28 = tpu.matmul %get3A_27, %div3A_24, %dot_general3A {dimension_numbers = #tpu.dot_dimension_numbers<[1], [1], [0], [0], [0, 0, 1, 0], [], []>, transpose_lhs_hint = false} : vector<128x768xf32>, vector<100x768xf32>, vector<128x100xf32> -> vector<128x100xf32>
      %mul3A_29 = arith.mulf %get3A_27, %get3A_27 : vector<128x768xf32>
      %mul3A_30 = arith.mulf %div3A_13, %div3A_13 : vector<100x768xf32>
      %dot_general3A_31 = arith.constant dense<0.000000e+00> : vector<128x100xf32>
      %dot_general3A_32 = tpu.matmul %mul3A_29, %mul3A_30, %dot_general3A_31 {dimension_numbers = #tpu.dot_dimension_numbers<[1], [1], [0], [0], [0, 0, 1, 0], [], []>, transpose_lhs_hint = false} : vector<128x768xf32>, vector<100x768xf32>, vector<128x100xf32> -> vector<128x100xf32>
      %sqrt3A_33 = math.sqrt %dot_general3A_32 : vector<128x100xf32>
      %max3A_34 = arith.constant 9.99999997E-7 : f32
      %max3A_35 = vector.broadcast %max3A_34 : f32 to vector<128x100xf32>
      %max3A_36 = arith.maximumf %sqrt3A_33, %max3A_35 : vector<128x100xf32>
      %get3A_37 = arith.constant 0 : index
      %get3A_38 = memref.load %arg1[%get3A_37] : memref<1xf32, #tpu.memory_space<smem>>
      %div3A_39 = arith.divf %dot_general3A_28, %max3A_36 : vector<128x100xf32>
      %add3A = arith.constant 1.000000e+00 : f32
      %add3A_40 = vector.broadcast %add3A : f32 to vector<128x100xf32>
      %add3A_41 = arith.addf %div3A_39, %add3A_40 : vector<128x100xf32>
      %mul3A_42 = arith.constant 5.000000e-01 : f32
      %mul3A_43 = arith.mulf %mul3A_42, %get3A_38 : f32
      %mul3A_44 = vector.broadcast %mul3A_43 : f32 to vector<128x100xf32>
      %mul3A_45 = arith.mulf %add3A_41, %mul3A_44 : vector<128x100xf32>
      %get3A_46 = arith.constant 0 : index
      %get3A_47 = arith.constant 0 : index
      %get3A_48 = arith.constant 0 : index
      %get3A_49 = vector.load %arg5[%get3A_46, %get3A_47, %get3A_48] : memref<8x100x768xf32, #tpu.memory_space<vmem>>, vector<1x100x768xf32>
      %get3A_50 = vector.shape_cast %get3A_49 : vector<1x100x768xf32> to vector<100x768xf32>
      %dot_general3A_51 = arith.constant dense<0.000000e+00> : vector<128x768xf32>
      %dot_general3A_52 = tpu.matmul %mul3A_45, %get3A_50, %dot_general3A_51 {dimension_numbers = #tpu.dot_dimension_numbers<[1], [0], [0], [1], [0, 0, 1, 1], [], []>, transpose_lhs_hint = false} : vector<128x100xf32>, vector<100x768xf32>, vector<128x768xf32> -> vector<128x768xf32>
      %swap3A_53 = arith.constant 0 : index
      %swap3A_54 = arith.constant 0 : index
      %swap3A_55 = vector.load %arg7[%swap3A_53, %swap3A_54] : memref<128x3072xf32, #tpu.memory_space<vmem>>, vector<128x768xf32>
      tpu.vector_store %arg7[%swap3A_53, %swap3A_54], %dot_general3A_52 {strides = array<i32>} : memref<128x3072xf32, #tpu.memory_space<vmem>>, vector<128x768xf32>,
      %get3A_56 = arith.constant 1 : index
      %get3A_57 = arith.constant 0 : index
      %get3A_58 = arith.constant 0 : index
      %get3A_59 = vector.load %arg5[%get3A_56, %get3A_57, %get3A_58] : memref<8x100x768xf32, #tpu.memory_space<vmem>>, vector<1x100x768xf32>
      %get3A_60 = vector.shape_cast %get3A_59 : vector<1x100x768xf32> to vector<100x768xf32>
      %dot_general3A_61 = arith.constant dense<0.000000e+00> : vector<128x768xf32>
      %dot_general3A_62 = tpu.matmul %mul3A_45, %get3A_60, %dot_general3A_61 {dimension_numbers = #tpu.dot_dimension_numbers<[1], [0], [0], [1], [0, 0, 1, 1], [], []>, transpose_lhs_hint = false} : vector<128x100xf32>, vector<100x768xf32>, vector<128x768xf32> -> vector<128x768xf32>
      %swap3A_63 = arith.constant 0 : index
      %swap3A_64 = arith.constant 768 : index
      %swap3A_65 = vector.load %arg7[%swap3A_63, %swap3A_64] : memref<128x3072xf32, #tpu.memory_space<vmem>>, vector<128x768xf32>
      tpu.vector_store %arg7[%swap3A_63, %swap3A_64], %dot_general3A_62 {strides = array<i32>} : memref<128x3072xf32, #tpu.memory_space<vmem>>, vector<128x768xf32>,
      %get3A_66 = arith.constant 2 : index
      %get3A_67 = arith.constant 0 : index
      %get3A_68 = arith.constant 0 : index
      %get3A_69 = vector.load %arg5[%get3A_66, %get3A_67, %get3A_68] : memref<8x100x768xf32, #tpu.memory_space<vmem>>, vector<1x100x768xf32>
      %get3A_70 = vector.shape_cast %get3A_69 : vector<1x100x768xf32> to vector<100x768xf32>
      %dot_general3A_71 = arith.constant dense<0.000000e+00> : vector<128x768xf32>
      %dot_general3A_72 = tpu.matmul %mul3A_45, %get3A_70, %dot_general3A_71 {dimension_numbers = #tpu.dot_dimension_numbers<[1], [0], [0], [1], [0, 0, 1, 1], [], []>, transpose_lhs_hint = false} : vector<128x100xf32>, vector<100x768xf32>, vector<128x768xf32> -> vector<128x768xf32>
      %swap3A_73 = arith.constant 0 : index
      %swap3A_74 = arith.constant 1536 : index
      %swap3A_75 = vector.load %arg7[%swap3A_73, %swap3A_74] : memref<128x3072xf32, #tpu.memory_space<vmem>>, vector<128x768xf32>
      tpu.vector_store %arg7[%swap3A_73, %swap3A_74], %dot_general3A_72 {strides = array<i32>} : memref<128x3072xf32, #tpu.memory_space<vmem>>, vector<128x768xf32>,
      %get3A_76 = arith.constant 3 : index
      %get3A_77 = arith.constant 0 : index
      %get3A_78 = arith.constant 0 : index
      %get3A_79 = vector.load %arg5[%get3A_76, %get3A_77, %get3A_78] : memref<8x100x768xf32, #tpu.memory_space<vmem>>, vector<1x100x768xf32>
      %get3A_80 = vector.shape_cast %get3A_79 : vector<1x100x768xf32> to vector<100x768xf32>
      %dot_general3A_81 = arith.constant dense<0.000000e+00> : vector<128x768xf32>
      %dot_general3A_82 = tpu.matmul %mul3A_45, %get3A_80, %dot_general3A_81 {dimension_numbers = #tpu.dot_dimension_numbers<[1], [0], [0], [1], [0, 0, 1, 1], [], []>, transpose_lhs_hint = false} : vector<128x100xf32>, vector<100x768xf32>, vector<128x768xf32> -> vector<128x768xf32>
      %swap3A_83 = arith.constant 0 : index
      %swap3A_84 = arith.constant 2304 : index
      %swap3A_85 = vector.load %arg7[%swap3A_83, %swap3A_84] : memref<128x3072xf32, #tpu.memory_space<vmem>>, vector<128x768xf32>
      tpu.vector_store %arg7[%swap3A_83, %swap3A_84], %dot_general3A_82 {strides = array<i32>} : memref<128x3072xf32, #tpu.memory_space<vmem>>, vector<128x768xf32>,
      %get3A_86 = arith.constant 4 : index
      %get3A_87 = arith.constant 0 : index
      %get3A_88 = arith.constant 0 : index
      %get3A_89 = vector.load %arg5[%get3A_86, %get3A_87, %get3A_88] : memref<8x100x768xf32, #tpu.memory_space<vmem>>, vector<1x100x768xf32>
      %get3A_90 = vector.shape_cast %get3A_89 : vector<1x100x768xf32> to vector<100x768xf32>
      %dot_general3A_91 = arith.constant dense<0.000000e+00> : vector<128x768xf32>
      %dot_general3A_92 = tpu.matmul %mul3A_45, %get3A_90, %dot_general3A_91 {dimension_numbers = #tpu.dot_dimension_numbers<[1], [0], [0], [1], [0, 0, 1, 1], [], []>, transpose_lhs_hint = false} : vector<128x100xf32>, vector<100x768xf32>, vector<128x768xf32> -> vector<128x768xf32>
      %swap3A_93 = arith.constant 0 : index
      %swap3A_94 = arith.constant 0 : index
      %swap3A_95 = vector.load %arg8[%swap3A_93, %swap3A_94] : memref<128x3072xf32, #tpu.memory_space<vmem>>, vector<128x768xf32>
      tpu.vector_store %arg8[%swap3A_93, %swap3A_94], %dot_general3A_92 {strides = array<i32>} : memref<128x3072xf32, #tpu.memory_space<vmem>>, vector<128x768xf32>,
      %get3A_96 = arith.constant 5 : index
      %get3A_97 = arith.constant 0 : index
      %get3A_98 = arith.constant 0 : index
      %get3A_99 = vector.load %arg5[%get3A_96, %get3A_97, %get3A_98] : memref<8x100x768xf32, #tpu.memory_space<vmem>>, vector<1x100x768xf32>
      %get3A_100 = vector.shape_cast %get3A_99 : vector<1x100x768xf32> to vector<100x768xf32>
      %dot_general3A_101 = arith.constant dense<0.000000e+00> : vector<128x768xf32>
      %dot_general3A_102 = tpu.matmul %mul3A_45, %get3A_100, %dot_general3A_101 {dimension_numbers = #tpu.dot_dimension_numbers<[1], [0], [0], [1], [0, 0, 1, 1], [], []>, transpose_lhs_hint = false} : vector<128x100xf32>, vector<100x768xf32>, vector<128x768xf32> -> vector<128x768xf32>
      %swap3A_103 = arith.constant 0 : index
      %swap3A_104 = arith.constant 768 : index
      %swap3A_105 = vector.load %arg8[%swap3A_103, %swap3A_104] : memref<128x3072xf32, #tpu.memory_space<vmem>>, vector<128x768xf32>
      tpu.vector_store %arg8[%swap3A_103, %swap3A_104], %dot_general3A_102 {strides = array<i32>} : memref<128x3072xf32, #tpu.memory_space<vmem>>, vector<128x768xf32>,
      %get3A_106 = arith.constant 6 : index
      %get3A_107 = arith.constant 0 : index
      %get3A_108 = arith.constant 0 : index
      %get3A_109 = vector.load %arg5[%get3A_106, %get3A_107, %get3A_108] : memref<8x100x768xf32, #tpu.memory_space<vmem>>, vector<1x100x768xf32>
      %get3A_110 = vector.shape_cast %get3A_109 : vector<1x100x768xf32> to vector<100x768xf32>
      %dot_general3A_111 = arith.constant dense<0.000000e+00> : vector<128x768xf32>
      %dot_general3A_112 = tpu.matmul %mul3A_45, %get3A_110, %dot_general3A_111 {dimension_numbers = #tpu.dot_dimension_numbers<[1], [0], [0], [1], [0, 0, 1, 1], [], []>, transpose_lhs_hint = false} : vector<128x100xf32>, vector<100x768xf32>, vector<128x768xf32> -> vector<128x768xf32>
      %swap3A_113 = arith.constant 0 : index
      %swap3A_114 = arith.constant 1536 : index
      %swap3A_115 = vector.load %arg8[%swap3A_113, %swap3A_114] : memref<128x3072xf32, #tpu.memory_space<vmem>>, vector<128x768xf32>
      tpu.vector_store %arg8[%swap3A_113, %swap3A_114], %dot_general3A_112 {strides = array<i32>} : memref<128x3072xf32, #tpu.memory_space<vmem>>, vector<128x768xf32>,
      %get3A_116 = arith.constant 7 : index
      %get3A_117 = arith.constant 0 : index
      %get3A_118 = arith.constant 0 : index
      %get3A_119 = vector.load %arg5[%get3A_116, %get3A_117, %get3A_118] : memref<8x100x768xf32, #tpu.memory_space<vmem>>, vector<1x100x768xf32>
      %get3A_120 = vector.shape_cast %get3A_119 : vector<1x100x768xf32> to vector<100x768xf32>
      %dot_general3A_121 = arith.constant dense<0.000000e+00> : vector<128x768xf32>
      %dot_general3A_122 = tpu.matmul %mul3A_45, %get3A_120, %dot_general3A_121 {dimension_numbers = #tpu.dot_dimension_numbers<[1], [0], [0], [1], [0, 0, 1, 1], [], []>, transpose_lhs_hint = false} : vector<128x100xf32>, vector<100x768xf32>, vector<128x768xf32> -> vector<128x768xf32>
      %swap3A_123 = arith.constant 0 : index
      %swap3A_124 = arith.constant 2304 : index
      %swap3A_125 = vector.load %arg8[%swap3A_123, %swap3A_124] : memref<128x3072xf32, #tpu.memory_space<vmem>>, vector<128x768xf32>
      tpu.vector_store %arg8[%swap3A_123, %swap3A_124], %dot_general3A_122 {strides = array<i32>} : memref<128x3072xf32, #tpu.memory_space<vmem>>, vector<128x768xf32>,
    } else {
    }
    return
  }
  func.func @transform_0(%arg0: i32) -> i32 {
    %c0_i32 = arith.constant 0 : i32
    %c0_i32_0 = arith.constant 0 : i32
    return %c0_i32 : i32
  }
  func.func @transform_1(%arg0: i32) -> (i32, i32) {
    %c0_i32 = arith.constant 0 : i32
    %c0_i32_0 = arith.constant 0 : i32
    %c0_i32_1 = arith.constant 0 : i32
    return %c0_i32, %c0_i32_0 : i32, i32
  }
  func.func @transform_2(%arg0: i32) -> (i32, i32) {
    %c0_i32 = arith.constant 0 : i32
    %c0_i32_0 = arith.constant 0 : i32
    %c0_i32_1 = arith.constant 0 : i32
    return %c0_i32, %c0_i32_0 : i32, i32
  }
  func.func @transform_3(%arg0: i32) -> (i32, i32) {
    %c0_i32 = arith.constant 0 : i32
    %c0_i32_0 = arith.constant 0 : i32
    %c0_i32_1 = arith.constant 0 : i32
    return %c0_i32, %c0_i32_0 : i32, i32
  }
  func.func @transform_4(%arg0: i32) -> (i32, i32, i32) {
    %c0_i32 = arith.constant 0 : i32
    %c0_i32_0 = arith.constant 0 : i32
    %c0_i32_1 = arith.constant 0 : i32
    %c0_i32_2 = arith.constant 0 : i32
    return %c0_i32, %c0_i32_0, %c0_i32_1 : i32, i32, i32
  }
  func.func @transform_5(%arg0: i32) -> (i32, i32) {
    %c0_i32 = arith.constant 0 : i32
    %c0_i32_0 = arith.constant 0 : i32
    return %arg0, %c0_i32 : i32, i32
  }
  func.func @transform_6(%arg0: i32) -> (i32, i32) {
    %c0_i32 = arith.constant 0 : i32
    %c0_i32_0 = arith.constant 0 : i32
    %c0_i32_1 = arith.constant 0 : i32
    return %c0_i32, %c0_i32_0 : i32, i32
  }
  func.func @transform_7(%arg0: i32) -> (i32, i32) {
    %c0_i32 = arith.constant 0 : i32
    %c0_i32_0 = arith.constant 0 : i32
    %c0_i32_1 = arith.constant 0 : i32
    return %c0_i32, %c0_i32_0 : i32, i32
  }
  func.func @transform_8(%arg0: i32) -> (i32, i32) {
    %c0_i32 = arith.constant 0 : i32
    %c0_i32_0 = arith.constant 0 : i32
    return %arg0, %c0_i32 : i32, i32
  }
}

</mosaic_0001>

<sc_bundles>
// kernel: sparse-core-data-format-call.cloned.1.call-start
scs
called_computation_lowered:
.L_overlay_start_0:
0x0: {  	s2 =	sld [smem:$0x3FD9]  }
0x1: {  	s3 =	sld [smem:$0x3FFE];
	_ =	sdelay $0x1  }
0x2: {  	s1 =	srdreg.scid  }
0x3: {  	s0 =	sand.u32 $0x1, s1  }
0x4: {  	s15 =	sshll.u32 s0, $0xA;
	s2 =	sadd.s32 s3, s2  }
0x5: {  	s2 =	sadd.s32 s2, s15  }
0x6: {  	[smem:$0x3FC2] =	sst s2  }
0x7: {  	_ = 	snop  }
0x8: {  	s2 =	sld [smem:$0x3FD0];
	_ =	sdelay $0x2  }
0x9: {  	s16 =	simm.s32 $0xA;
	s4 =	simm.s32 $0x10  }
0xa: {  	[smem:s4], [sflag:s16] =	dma.local [hbm:s2], $0x1  }
0xb: {  	_ =	swait.eq [sflag:s16], $0x1  }
0xc: {  	[sflag:s16] =	ssyncset.done $0x0  }
0xd: {  	[sflag:s16] =	ssyncadd.s32 $0xFFFFFFFF  }
0xe: {  	s17 =	sld [smem:$0x12];
	(tm) =	ssettm $0x1  }
0xf: {  	s18 =	sld [smem:$0x3FFB];
	_ =	sdelay $0x3  }
0x10: {  	_ =	strace s18  }
0x11: {  	s3 =	sld [smem:$0x3FFC];
	_ =	sdelay $0x3  }
0x12: {  	_ =	strace s3  }
0x13: {  	s3 =	sld [smem:$0x3FFD];
	_ =	sdelay $0x3  }
0x14: {  	_ =	strace s3  }
0x15: {  	_ =	strace $0x8FFFFFFF  }
0x16: {  	s19 =	sld [smem:$0x3FDB];
	_ =	sdelay $0x1  }
0x17: {  	s20 =	simm.s32 $_scs_section_size  }
0x18: {  	s5 =	simm.s32 $_size__tile_overlayer_lowered;
	s6 =	simm.s32 $_tile_overlayer_lowered  }
0x19: {  	s23 =	simm.s32 $0x1BFF;
	s22 =	sshll.u32 s6, $0x1;
	s3 =	sadd.s32 s20, s19  }
0x1a: {  	s7 =	simm.s32 $0x0;
	s21 =	sshll.u32 s5, $0x1;
	s5 =	sadd.s32 s22, s3  }
0x1b: {  	[timem:s7], [sflag:s23] =	dma.local [hbm:s5], s21  }
0x1c: {  	_ =	swait.ge [sflag:s23], s21  }
0x1d: {  	s4 =	ssub.s32 $0x0, s21;
	[sflag:s23] =	ssyncset.done $0x0  }
0x1e: {  	[sflag:s23] =	ssyncadd.s32 s4;
	_ =	sdelay $0x1  }
0x1f: {  	s24 =	simm.s32 $0x1B8B  }
0x20: {  	_ =	swait.ge [sflag:s24], $0x1  }
0x21: {  	[sflag:s24] =	ssyncset.done $0x0  }
0x22: {  	s26 =	simm.s32 $0x1B8E;
	s25 =	sld [smem:$0x3FFE];
	[sflag:s24] =	ssyncadd.s32 $0xFFFFFFFF  }
0x23: {  	s27 =	simm.s32 $execute0_lowered;
	[smem:$0x3FD2] =	sst s26  }
0x24: {  	s5 =	sshll.u32 s27, $0x1;
	_ =	strace $0x80000046;
	[dreg:$0x1] =	wrdreg $0xFFFFFFFF  }
0x25: {  	s28 =	simm.s32 $_size_execute0_lowered;
	s3 =	sadd.s32 s3, s5;
	[dreg:$0x0] =	wrdreg $0x0  }
0x26: {  	s5 =	sshll.u32 s28, $0x1;
	[dreg:$0x2] =	wrdreg s3  }
0x27: {  	[dreg:$0x3] =	wrdreg s5  }
0x28: {  	[dreg:$0x4] =	wrdreg $0xC0  }
0x29: {  	_ =	task [dreg:s7], $0x5FFFF  }
0x2a: {  	[dreg:$0x1] =	wrdreg $0xFFFFFFFF  }
0x2b: {  	[dreg:$0x0] =	wrdreg $0x60  }
0x2c: {  	[dreg:$0x2] =	wrdreg s25  }
0x2d: {  	[dreg:$0x3] =	wrdreg s17  }
0x2e: {  	[dreg:$0x4] =	wrdreg $0x9  }
0x2f: {  	_ =	task.clear_ibuf [dreg:s7], $0x5FFFF;
	_ =	strace $0x90000046  }
0x30: {  	s29 =	simm.s32 $0x9;
	_ =	strace $0x80000048  }
0x31: {  	_ =	swait.ge [sflag:s29], $0x1  }
0x32: {  	[sflag:s29] =	ssyncadd.s32 $0xFFFFFFFF  }
0x33: {  	_ =	strace $0x90000048  }
0x34: {  	_ =	sfence  }
0x35: {  	s30 =	sld [smem:$0x0];
	_ =	sdelay $0x2  }
0x36: {  	s31 =	sshll.u32 s1, $0xD;
	s1 =	sshrl.u32 s1, $0x2  }
0x37: {  	s3 =	sand.u32 $0x4000, s31;
	s1 =	sadd.s32 s1, s30  }
0x38: {  	s0 =	sor.u32 s3, s0;
	s1 =	sshll.u32 s1, $0x11  }
0x39: {  	s0 =	sor.u32 s1, s0  }
0x3a: {  	s0 =	sadd.s32 $0x8F2B, s0  }
0x3b: {  	[sflag:s0] =	ssyncadd.remote.s32 $0x1  }
0x3c: {  	_ =	sfence.sel $0xFFFF  }
0x3d: {  	[dreg:$0x0] =	wrdreg $0xFFFFFFFF;
	(pc) =	sbr.abs _section_cstart, $3  }
0x3e: {  	[dreg:$0x1] =	wrdreg $0xFFFFFFFF  }
0x3f: {  	_ =	task.clear_ibuf [dreg:s7], $0x2FFFF;
	_ =	strace $0x9FFFFFFF  }
0x40: {  	(tm) =	ssettm $0x7FFFFFFF  }
0x41: {  	_ =	shalt  }
tec
execute0_lowered:
.L_overlay_start_1:
0x0: {  	(tag) =	ssettag $0x1  }
0x1: {  	s6 =	rddreg [dreg:$0x0]  }
0x2: {  	s0 =	srdreg.scid;
	s2 =	rddreg [dreg:$0x1];
	s4 =	simm.s32 $0x1  }
0x3: {  	s7 =	simm.s32 $0x2;
	s15 =	simm.s32 $0x0;
	s1 =	sshll.u32 s0, $0x4  }
0x4: {  	s8 =	simm.s32 $0x1800;
	s0 =	stileid.u32;
	s1 =	sand.u32 $0x10, s1  }
0x5: {  	s9 =	simm.s32 $0x0;
	s14 =	simm.s32 $0x0;
	s3 =	sor.u32 s0, s1  }
.Ltmp0:
0x6: {  	s16 =	simm.s32 $0x0;
	s5 =	ssub.s32 $0xE4, s3;
	(pc) =	sbr.rel .LBB1_1-.Ltmp0, $4  }
0x7: {  	s10 =	simm.s32 $0x0;
	s12 =	simm.s32 $0x0;
	s5 =	sshrl.u32 s5, $0x5  }
0x8: {  	s1 =	rddreg [dreg:$0x2];
	_ =	strace $0x80000047;
	s5 =	smul.u32 $0x6, s5  }
0x9: {  	s13 =	simm.s32 $0x0;
	s6 =	sadd.s32 $0x25C000, s6;
	[sflag:s4] =	ssyncpa.u1 $0x0  }
0xa: {  	s11 =	smov.u32 s3;
	[sflag:s7] =	ssyncpa.u1 $0x0;
	s7 =	sor.u32 $0x1, s5  }
.LBB1_4:
0xb: {  	_ =	sdelay $0x2  }
0xc: {  	s20 =	sshrl.u32 s16, $0x3  }
0xd: {  	[tilespmem:v0+s19+$0xFFFFFFD0 ss:$0x1] =	vst.idx.msk $0xffff, v7;
	s21 =	sshll.u32 s15, $0x3;
	s20 =	smul.u32 $0x1800, s20  }
0xe: {  	v56 =	vld.idx.msk [tilespmem:v1+s18+$0x0 ss:$0x1], $0xffff;
	[tilespmem:v0+s19+$0xFFFFFFE0 ss:$0x1] =	vst.idx.msk $0xffff, v5;
	s27 =	sshll.u32 s16, $0x7;
	s21 =	sand.u32 $0xFFFFFC00, s21  }
0xf: {  	v57 =	vld.idx.msk [tilespmem:v1+s18+$0xFFFFFF90 ss:$0x1], $0xffff;
	[tilespmem:v0+s19+$0xFFFFFFF0 ss:$0x1] =	vst.idx.msk $0xffff, v4;
	s16 =	sand.u32 $0x380, s27;
	s20 =	sadd.s32 s20, s21  }
0x10: {  	v58 =	vld.idx.msk [tilespmem:v1+s18+$0xFFFFFFA0 ss:$0x1], $0xffff;
	[tilespmem:v0+s19+$0x0 ss:$0x1] =	vst.idx.msk $0xffff, v2;
	s28 =	sand.u32 $0x7F, s15;
	s16 =	sor.u32 s16, s20  }
0x11: {  	v59 =	vld.idx.msk [tilespmem:v1+s18+$0xFFFFFFB0 ss:$0x1], $0xffff;
	[tilespmem:v0+s19+$0x10 ss:$0x1] =	vst.idx.msk $0xffff, v3;
	s15 =	sor.u32 s28, s16  }
0x12: {  	v60 =	vld.idx.msk [tilespmem:v1+s18+$0xFFFFFFC0 ss:$0x1], $0xffff;
	[tilespmem:v0+s19+$0x20 ss:$0x1] =	vst.idx.msk $0xffff, v6;
	s29 =	smulhi.u32 $0xAAAAAAAB, s15  }
0x13: {  	v61 =	vld.idx.msk [tilespmem:v1+s18+$0xFFFFFFD0 ss:$0x1], $0xffff;
	[tilespmem:v0+s18+$0x30 ss:$0x1] =	vst.idx.msk $0xffff, v56;
	s16 =	smulhi.u32 $0xAAAAAAAB, s16  }
0x14: {  	v62 =	vld.idx.msk [tilespmem:v1+s18+$0xFFFFFFE0 ss:$0x1], $0xffff;
	[tilespmem:v0+s18+$0xFFFFFFC0 ss:$0x1] =	vst.idx.msk $0xffff, v57;
	s19 =	sshrl.u32 s29, $0x9  }
0x15: {  	v63 =	vld.idx.msk [tilespmem:v1+s18+$0xFFFFFFF0 ss:$0x1], $0xffff;
	[tilespmem:v0+s18+$0xFFFFFFD0 ss:$0x1] =	vst.idx.msk $0xffff, v58;
	s16 =	sshrl.u32 s16, $0x9;
	s19 =	smul.u32 $0x300, s19  }
0x16: {  	s14 =	smul.u32 $0x3000, s14;
	[tilespmem:v0+s18+$0xFFFFFFE0 ss:$0x1] =	vst.idx.msk $0xffff, v59;
	s16 =	sand.u32 $0x7F, s16  }
0x17: {  	[tilespmem:v0+s18+$0xFFFFFFF0 ss:$0x1] =	vst.idx.msk $0xffff, v60;
	s16 =	smul.u32 $0x60, s16;
	s15 =	ssub.s32 s15, s19  }
0x18: {  	s14 =	sadd.s32 s2, s14;
	[tilespmem:v0+s18+$0x0 ss:$0x1] =	vst.idx.msk $0xffff, v61;
	s19 =	sand.u32 $0x7, s15  }
0x19: {  	[tilespmem:v0+s18+$0x10 ss:$0x1] =	vst.idx.msk $0xffff, v62;
	s14 =	sadd.s32 s16, s14;
	s15 =	sshrl.u32 s15, $0x3;
	s30 =	sshll.u32 s19, $0x12  }
0x1a: {  	[tilespmem:v0+s18+$0x20 ss:$0x1] =	vst.idx.msk $0xffff, v63;
	s14 =	sadd.s32 s15, s14;
	s31 =	sor.u32 $0x400, s30  }
0x1b: {  	[hbm4b:s14+s31] =	stream.strided.scatter [tilespmem:s17], [sflag:$0x2], $0x4000, s8, s31, $0x38;
	[tilespmem:$0x10000] =	vst v63  }
.LBB1_5:
0x1c: {  	s17 =	sadd.s32 $0x80, s10  }
0x1d: {  	s14 =	sadd.s32 $0x20, s11;
	s18 =	smov.u32 s11;
	p1 =	sgt.s32 s17, $0x2FF  }
0x1e: {  	s18 =	smov.u32 @p1 s14  }
0x1f: {  	s20 =	smov.u32 s12;
	s14 =	sadd.s32 $0x80, s12;
	p2 =	sgt.s32 s18, $0xC4  }
0x20: {  	s20 =	smov.u32 @p2 s14  }
0x21: {  	s17 =	simm.s32 @p1 $0x0;
	p1 =	sgt.s32 s20, $0x7F  }
0x22: {  	p0 =	slt.u32 s13, $0x2;
	s20 =	simm.s32 @p1 $0x0;
	p1 =	sne.s32 s13, s7  }
.Ltmp1:
0x23: {  	s19 =	simm.s32 @!p0 $0x2;
	(pc) =	sbr.rel @!p1 .LBB1_6-.Ltmp1, $4  }
0x24: {  	s15 =	smov.u32 s10;
	s16 =	smov.u32 s12;
	_ =	swait.ge @!p0 [sflag:s19], $0x4000  }
0x25: {  	s9 =	sadd.s32 $0x4000, s9;
	[sflag:s19] =	ssyncset.done @!p0 $0x0;
	s10 =	smov.u32 s17  }
0x26: {  	s18 =	smov.u32 @p2 s3;
	s14 =	smov.u32 s11;
	[sflag:s19] =	ssyncadd.s32 @!p0 $0xFFFFC000  }
0x27: {  	s11 =	smov.u32 s18;
	s13 =	sadd.s32 $0x1, s13;
	s12 =	smov.u32 s20  }
.LBB1_1:
0x28: {  	p0 =	sge.u32 s13, s5  }
0x29: {  	s17 =	sshrl.u32 @!p0 s11, $0x3  }
0x2a: {  	s18 =	sshll.u32 @!p0 s10, $0x3;
	s17 =	smul.u32 @!p0 $0x1800, s17  }
0x2b: {  	s19 =	sshll.u32 @!p0 s11, $0x7;
	s18 =	sand.u32 @!p0 $0xFFFFFC00, s18  }
0x2c: {  	s17 =	sadd.s32 @!p0 s17, s18;
	s18 =	sand.u32 @!p0 $0x380, s19  }
0x2d: {  	s17 =	sor.u32 @!p0 s18, s17  }
0x2e: {  	s18 =	sand.u32 @!p0 $0x7F, s10;
	s19 =	smulhi.u32 @!p0 $0xAAAAAAAB, s17  }
0x2f: {  	s17 =	sor.u32 @!p0 s18, s17  }
0x30: {  	s18 =	smulhi.u32 @!p0 $0xAAAAAAAB, s17;
	s19 =	sshrl.u32 @!p0 s19, $0x9  }
0x31: {  	s20 =	smulhi.u32 @!p0 $0x147AE15, s19;
	_ =	sdelay $0x1  }
0x32: {  	s18 =	sshrl.u32 @!p0 s18, $0x9;
	s20 =	smul.u32 @!p0 $0xC8, s20  }
0x33: {  	s31 =	sadd.s32 $0xFFFFFFFF, s13;
	s18 =	smul.u32 @!p0 $0x300, s18  }
0x34: {  	s21 =	sxor.u32 @!p0 $0xFFFFFFFF, s13;
	s19 =	ssub.s32 @!p0 s19, s20;
	s20 =	smul.u32 @!p0 $0x4B00, s12  }
0x35: {  	s21 =	sshll.u32 @!p0 s21, $0xE;
	s17 =	ssub.s32 @!p0 s17, s18;
	s18 =	smul.u32 @!p0 $0x60, s19  }
0x36: {  	s19 =	sand.u32 @!p0 $0x4000, s21;
	s21 =	sand.u32 @!p0 $0x7, s17;
	s20 =	sadd.s32 @!p0 s6, s20  }
0x37: {  	s17 =	sshrl.u32 @!p0 s17, $0x3;
	s18 =	sadd.s32 @!p0 s18, s20;
	s20 =	sshll.u32 @!p0 s21, $0x12  }
0x38: {  	s17 =	sadd.s32 @!p0 s17, s18;
	s18 =	sor.u32 @!p0 $0x80, s20;
	s20 =	simm.s32 @!p0 $0x25800  }
0x39: {  	[tilespmem:s19], [sflag:$0x1] =	stream.strided.gather @!p0 [hbm4b:s17+s18], $0x4000, s20, s18, $0x38;
	[tilespmem:$0x10000] =	vst v63  }
0x3a: {  	p0 =	sge.u32 s31, s5  }
.Ltmp2:
0x3b: {  	_ = 	snop;
	(pc) =	sbr.rel @p0 .LBB1_5-.Ltmp2, $1  }
0x3c: {  	_ =	sdelay $0x3  }
0x3d: {  	s17 =	sand.u32 $0x4000, s9  }
0x3e: {  	s18 =	sor.u32 $0x70, s17  }
0x3f: {  	v1 =	vmov s18;
	_ =	sdelay $0x1  }
0x40: {  	_ =	swait.ge [sflag:s4], $0x4000  }
0x41: {  	[sflag:s4] =	ssyncset.done $0x0  }
0x42: {  	s19 =	simm.s32 $0x0;
	[sflag:s4] =	ssyncadd.s32 $0xFFFFC000  }
0x43: {  	s17 =	sor.u32 $0x8040, s17;
	v6 =	vld.idx.msk [tilespmem:v1+s19+$0x0 ss:$0x1], $0xffff  }
0x44: {  	v0 =	vmov s17;
	v8 =	vld.idx.msk [tilespmem:v1+s19+$0xFFFFFF90 ss:$0x1], $0xffff  }
0x45: {  	v7 =	vld.idx.msk [tilespmem:v1+s19+$0xFFFFFFA0 ss:$0x1], $0xffff  }
0x46: {  	v5 =	vld.idx.msk [tilespmem:v1+s19+$0xFFFFFFB0 ss:$0x1], $0xffff  }
0x47: {  	v4 =	vld.idx.msk [tilespmem:v1+s19+$0xFFFFFFC0 ss:$0x1], $0xffff  }
0x48: {  	s31 =	sshll.u32 s13, $0xE;
	v2 =	vld.idx.msk [tilespmem:v1+s19+$0xFFFFFFD0 ss:$0x1], $0xffff  }
0x49: {  	s17 =	sand.u32 $0x4000, s31;
	v3 =	vld.idx.msk [tilespmem:v1+s19+$0xFFFFFFE0 ss:$0x1], $0xffff;
	[tilespmem:v0+s19+$0x30 ss:$0x1] =	vst.idx.msk $0xffff, v6  }
0x4a: {  	s20 =	simm.s32 $0x400;
	s18 =	simm.s32 $0x80;
	s17 =	sor.u32 $0x8000, s17;
	[tilespmem:v0+s19+$0xFFFFFFC0 ss:$0x1] =	vst.idx.msk $0xffff, v8;
	v6 =	vld.idx.msk [tilespmem:v1+s19+$0xFFFFFFF0 ss:$0x1], $0xffff  }
.LBB1_3:
0x4b: {  	p0 =	sne.s32 s20, $0xFE00;
	v8 =	vld.idx.msk [tilespmem:v1+s18+$0x0 ss:$0x1], $0xffff;
	[tilespmem:v0+s19+$0xFFFFFFD0 ss:$0x1] =	vst.idx.msk $0xffff, v7  }
0x4c: {  	v9 =	vld.idx.msk [tilespmem:v1+s18+$0xFFFFFF90 ss:$0x1], $0xffff;
	[tilespmem:v0+s19+$0xFFFFFFE0 ss:$0x1] =	vst.idx.msk $0xffff, v5  }
0x4d: {  	v7 =	vld.idx.msk [tilespmem:v1+s18+$0xFFFFFFA0 ss:$0x1], $0xffff;
	[tilespmem:v0+s19+$0xFFFFFFF0 ss:$0x1] =	vst.idx.msk $0xffff, v4  }
.Ltmp3:
0x4e: {  	v5 =	vld.idx.msk [tilespmem:v1+s18+$0xFFFFFFB0 ss:$0x1], $0xffff;
	[tilespmem:v0+s19+$0x0 ss:$0x1] =	vst.idx.msk $0xffff, v2;
	(pc) =	sbr.rel @p0 .LBB1_3-.Ltmp3, $4  }
0x4f: {  	v4 =	vld.idx.msk [tilespmem:v1+s18+$0xFFFFFFC0 ss:$0x1], $0xffff;
	[tilespmem:v0+s19+$0x10 ss:$0x1] =	vst.idx.msk $0xffff, v3  }
0x50: {  	v2 =	vld.idx.msk [tilespmem:v1+s18+$0xFFFFFFD0 ss:$0x1], $0xffff;
	[tilespmem:v0+s19+$0x20 ss:$0x1] =	vst.idx.msk $0xffff, v6;
	s19 =	smov.u32 s18  }
0x51: {  	v3 =	vld.idx.msk [tilespmem:v1+s19+$0xFFFFFFE0 ss:$0x1], $0xffff;
	[tilespmem:v0+s19+$0x30 ss:$0x1] =	vst.idx.msk $0xffff, v8  }
0x52: {  	s18 =	sshra.s32 s20, $0x2;
	s20 =	sadd.s32 $0x200, s20;
	[tilespmem:v0+s19+$0xFFFFFFC0 ss:$0x1] =	vst.idx.msk $0xffff, v9;
	v6 =	vld.idx.msk [tilespmem:v1+s19+$0xFFFFFFF0 ss:$0x1], $0xffff  }
.Ltmp4:
0x53: {  	_ = 	snop;
	(pc) =	sbr.rel .LBB1_4-.Ltmp4, $1  }
0x54: {  	_ =	sdelay $0x3  }
.LBB1_6:
0x55: {  	_ =	sfence.sel $0x180000  }
0x56: {  	s2 =	simm.s32 $0x1;
	[bflag:$0x0] =	sbarrier.arrive $0xFFFF  }
0x57: {  	s31 =	simm.s32 $0x2;
	[sflag:s2] =	ssyncpa.u1 $0x1  }
0x58: {  	[sflag:s31] =	ssyncpa.u1 $0x1  }
0x59: {  	p0 =	sne.s32 s0, $0x0;
	_ =	strace $0x90000047  }
0x5a: {  	s0 =	sadd.s32 @!p0 $0x100000, s1;
	[bflag:$0x2] =	sbarrier.arrive $0xFFFF  }
0x5b: {  	[sflag:s0] =	ssyncadd.tile.s32 @!p0 $0x1;
	_ =	shalt  }
.Lfunc_end1:
_tile_overlayer_lowered:
.L_overlay_start_2:
0x5c: {  	(tag) =	ssettag $0x2  }
0x5d: {  	s0 =	rddreg [dreg:$0x0];
	s2 =	stileid.u32  }
0x5e: {  	s1 =	rddreg [dreg:$0x1];
	p0 =	sne.s32 s2, $0x0  }
0x5f: {  	s3 =	rddreg [dreg:$0x2];
	[bflag:$0x3] =	sbarrier.arrive $0xFFFF;
	s2 =	simm.s32 @!p0 $0x1C01  }
0x60: {  	[timem:s3], [sflag:s2] =	dma.local @!p0 [hbm:s0], s1  }
0x61: {  	s0 =	simm.s32 @!p0 $0x1  }
0x62: {  	_ =	swait.ge @!p0 [sflag:s0], s1  }
0x63: {  	s1 =	ssub.s32 @!p0 $0x0, s1;
	[sflag:s0] =	ssyncset.done @!p0 $0x0  }
0x64: {  	[sflag:s0] =	ssyncadd.s32 @!p0 s1  }
0x65: {  	[bflag:$0x3] =	sbarrier.arrive $0xFFFF  }
0x66: {  	_ =	shalt  }

</sc_bundles>
